<compile_context>
chip_gen: v7x
topology: tpu7x:2x2x1
jax: 0.10.2.dev20260603
libtpu: 0.0.44.dev20260713+nightly
codegen_flags: <defaults>
</compile_context>

<pallas_src>
import functools

import jax
import jax.numpy as jnp
from jax import lax
from jax.experimental import pallas as pl
from jax.experimental.pallas import tpu as pltpu
from jax.experimental.pallas import tpu_sc as plsc

NP = 640
D = 64
K = 5
NQ = 100000
BQ = 5000
NB = NQ // BQ

_NEG = float("-inf")
_BIGI = 2**30


def _topk_body(p_ref, q_ref, out_ref, rv_ref, ri_ref):
    j = pl.program_id(0)

    @pl.when(j == 0)
    def _init():
        rv_ref[...] = jnp.full((NP, 8), _NEG, jnp.float32)
        ri_ref[...] = jnp.zeros((NP, 8), jnp.int32)

    p = p_ref[...]
    pn = p / jnp.sqrt(jnp.sum(p * p, axis=1, keepdims=True))
    q = q_ref[...]
    qn = q / jnp.sqrt(jnp.sum(q * q, axis=1, keepdims=True))
    s = lax.dot_general(pn, qn, (((1,), (1,)), ((), ())),
                        preferred_element_type=jnp.float32)

    iota = lax.broadcasted_iota(jnp.int32, (NP, BQ), 1).astype(jnp.float32)
    base = j * BQ
    bv, bi = [], []
    for t in range(K):
        m = jnp.max(s, axis=1, keepdims=True)
        c = jnp.where(s == m, iota, jnp.inf)
        li = jnp.min(c, axis=1, keepdims=True)
        bv.append(m)
        bi.append(li.astype(jnp.int32) + base)
        if t != K - 1:
            s = jnp.where(iota == li, _NEG, s)

    av = jnp.concatenate([rv_ref[:, :K]] + bv, axis=1)
    ai = jnp.concatenate([ri_ref[:, :K]] + bi, axis=1)
    iota10 = lax.broadcasted_iota(jnp.int32, (NP, 2 * K), 1)
    nv, ni = [], []
    for t in range(K):
        m = jnp.max(av, axis=1, keepdims=True)
        c = jnp.where(av == m, iota10, _BIGI)
        sel = jnp.min(c, axis=1, keepdims=True)
        pick = iota10 == sel
        ni.append(jnp.sum(jnp.where(pick, ai, 0), axis=1, keepdims=True))
        nv.append(m)
        if t != K - 1:
            av = jnp.where(pick, _NEG, av)
    pad_v = jnp.full((NP, 8 - K), _NEG, jnp.float32)
    pad_i = jnp.zeros((NP, 8 - K), jnp.int32)
    rv_ref[...] = jnp.concatenate(nv + [pad_v], axis=1)
    ri_ref[...] = jnp.concatenate(ni + [pad_i], axis=1)
    out_ref[...] = ri_ref[...]


def _topk_tc(pflat, queries):
    return pl.pallas_call(
        _topk_body,
        grid=(NB,),
        in_specs=[
            pl.BlockSpec((NP, D), lambda j: (0, 0)),
            pl.BlockSpec((BQ, D), lambda j: (j, 0)),
        ],
        out_specs=pl.BlockSpec((NP, 8), lambda j: (0, 0)),
        out_shape=jax.ShapeDtypeStruct((NP, 8), jnp.int32),
        scratch_shapes=[
            pltpu.VMEM((NP, 8), jnp.float32),
            pltpu.VMEM((NP, 8), jnp.int32),
        ],
        compiler_params=pltpu.CompilerParams(
            dimension_semantics=("arbitrary",),
            vmem_limit_bytes=128 * 1024 * 1024,
        ),
    )(pflat, queries)



_SC_B = 3328
_NW = 32
_BPW = _SC_B // _NW


def _gather_body(table_hbm, idx_hbm, out_hbm, idx_v, rows_v, sem):
    wid = lax.axis_index("s") * 2 + lax.axis_index("c")
    base = wid * _BPW
    pltpu.sync_copy(idx_hbm.at[pl.ds(base, _BPW)], idx_v)
    pltpu.async_copy(table_hbm.at[idx_v], rows_v, sem).wait()
    pltpu.sync_copy(rows_v, out_hbm.at[pl.ds(base, _BPW)])


def _gather_sc(queries, idx_pad):
    mesh = plsc.VectorSubcoreMesh(core_axis_name="c", subcore_axis_name="s")
    f = functools.partial(
        pl.kernel,
        mesh=mesh,
        out_type=jax.ShapeDtypeStruct((_SC_B, D), jnp.float32),
        scratch_types=[
            pltpu.VMEM((_BPW,), jnp.int32),
            pltpu.VMEM((_BPW, D), jnp.float32),
            pltpu.SemaphoreType.DMA,
        ],
        compiler_params=pltpu.CompilerParams(use_tc_tiling_on_sc=False),
    )(_gather_body)
    return f(queries, idx_pad)


def kernel(prototypes, queries):
    nway, kshot, dim = prototypes.shape
    idx8 = _topk_tc(prototypes.reshape(nway * kshot, dim), queries)
    nidx = idx8[:, :K].reshape(-1)
    idx_pad = jnp.concatenate(
        [nidx, jnp.zeros((_SC_B - nidx.shape[0],), jnp.int32)])
    rows = _gather_sc(queries, idx_pad)
    return rows[: nidx.shape[0]].reshape(nway, kshot * K, dim)

# --- scband reference (transcript-rebuilt; emitter-appended) ---
"""Pipeline reference for scband-sampler-18657337934661 (READ-ONLY COPY).

The authoritative reference and input builder live on the scoring server;
editing this copy changes nothing except your own understanding.
"""

import jax, jax.numpy as jnp
import numpy as np


def setup_inputs(seed: int = 0) -> dict:
    key = jax.random.key(seed)
    k1, k2 = jax.random.split(key)
    prototypes = jax.random.normal(k1, (128, 5, 64), dtype=jnp.float32)
    queries = jax.random.normal(k2, (100000, 64), dtype=jnp.float32)
    return {"prototypes": prototypes, "queries": queries}


def reference(prototypes, queries):
    # Sampler.forward with dim=args.ctx_dim=64, k=5, kshot=5 (hardcoded)
    nway, kshot, dim = prototypes.shape  # kshot must be 5
    k = 5
    pn = prototypes / jnp.linalg.norm(prototypes, axis=-1, keepdims=True)
    qn = queries / jnp.linalg.norm(queries, axis=-1, keepdims=True)
    # [nway, kshot, dim] @ [dim, Q] -> [nway, kshot, Q]
    similarity = -(pn @ qn.T).reshape(nway, kshot, -1)
    # torch.topk(largest=False, sorted=True) == top_k of negated values
    neg_vals, indices = jax.lax.top_k(-similarity, k)
    nindices = indices.reshape(-1, k)  # [nway*kshot, k]
    # batched index_select over queries -> gather
    convex_feat = jnp.take(queries, nindices, axis=0)  # [nway*kshot, k, dim]
    sampled_data = convex_feat.reshape(nway, kshot * k, dim)
    return sampled_data

if __name__ == "__main__":
    import jax
    _d = setup_inputs()
    print(jax.jit(kernel)(*tuple(_d.values())))

</pallas_src>

<mosaic_0001>
#map = affine_map<(d0, d1) -> (0, 0)>
#map1 = affine_map<(d0, d1) -> (0)>
module attributes {stable_mosaic.version = 14 : i64} {
  func.func @_gather_body(%arg0: i32, %arg1: i32, %arg2: memref<100000x64xf32, #tpu.memory_space<hbm>>, %arg3: memref<3328xi32, #tpu.memory_space<hbm>>, %arg4: memref<3328x64xf32, #tpu.memory_space<hbm>>, %arg5: memref<104xi32, #tpu.memory_space<vmem>>, %arg6: memref<104x64xf32, #tpu.memory_space<vmem>>, %arg7: memref<!tpu.dma_semaphore, #tpu.memory_space<semaphore_mem>>) attributes {dimension_semantics = [#tpu.dimension_semantics<core_parallel>, #tpu.dimension_semantics<subcore_parallel>], iteration_bounds = array<i64: 2, 16>, scalar_prefetch = 0 : i64, scratch_operands = 3 : i64, tpu.core_type = #tpu.core_type<sc_vector_subcore>, window_params = [{transform_indices = #map}, {transform_indices = #map1}, {transform_indices = #map}]} {
    %mul3A = arith.constant 2 : i32
    %mul3A_0 = arith.muli %arg1, %mul3A : i32
    %add3A = arith.addi %mul3A_0, %arg0 : i32
    %mul3A_1 = arith.constant 104 : i32
    %mul3A_2 = arith.muli %add3A, %mul3A_1 : i32
    "tpu.region"() ({
      %run_scoped3A = tpu.sem_alloc : memref<!tpu.dma_semaphore, #tpu.memory_space<semaphore_mem>>
      %dma_start3A_7 = tpu.memref_slice %arg3[%mul3A_2] : memref<3328xi32, #tpu.memory_space<hbm>> -> memref<104xi32, #tpu.memory_space<hbm>>
      %dma_start3A_8 = tpu.memref_slice %arg3[%mul3A_2] : memref<3328xi32, #tpu.memory_space<hbm>> -> memref<104xi32, #tpu.memory_space<hbm>>
      tpu.enqueue_dma source(%dma_start3A_8 : memref<104xi32, #tpu.memory_space<hbm>>) target(%arg5 : memref<104xi32, #tpu.memory_space<vmem>>) target_semaphore(%run_scoped3A : memref<!tpu.dma_semaphore, #tpu.memory_space<semaphore_mem>>)
      %dma_wait3A_9 = tpu.memref_slice %arg3[%mul3A_2] : memref<3328xi32, #tpu.memory_space<hbm>> -> memref<104xi32, #tpu.memory_space<hbm>>
      %dma_wait3A_10 = tpu.memref_slice %arg3[%mul3A_2] : memref<3328xi32, #tpu.memory_space<hbm>> -> memref<104xi32, #tpu.memory_space<hbm>>
      tpu.wait_dma2 semaphore(%run_scoped3A : memref<!tpu.dma_semaphore, #tpu.memory_space<semaphore_mem>>) src(%dma_wait3A_10 : memref<104xi32, #tpu.memory_space<hbm>>) dst(%arg5 : memref<104xi32, #tpu.memory_space<vmem>>)
      tpu.yield
    }) : () -> ()
    %dma_start3A = arith.constant 0 : i32
    %dma_start3A_3 = arith.constant 0 : i32
    %dma_start3A_4 = tpu.memref_slice %arg2[%dma_start3A, %dma_start3A_3] : memref<100000x64xf32, #tpu.memory_space<hbm>> -> memref<100000x64xf32, #tpu.memory_space<hbm>>
    tpu.enqueue_indirect_dma source(%dma_start3A_4 : memref<100000x64xf32, #tpu.memory_space<hbm>>) target(%arg6 : memref<104x64xf32, #tpu.memory_space<vmem>>) offsets(%arg5 : memref<104xi32, #tpu.memory_space<vmem>>) semaphore(%arg7 : memref<!tpu.dma_semaphore, #tpu.memory_space<semaphore_mem>>)
    %dma_wait3A = arith.constant 0 : i32
    %dma_wait3A_5 = arith.constant 0 : i32
    %dma_wait3A_6 = tpu.memref_slice %arg2[%dma_wait3A, %dma_wait3A_5] : memref<100000x64xf32, #tpu.memory_space<hbm>> -> memref<100000x64xf32, #tpu.memory_space<hbm>>
    tpu.wait_indirect_dma semaphore(%arg7 : memref<!tpu.dma_semaphore, #tpu.memory_space<semaphore_mem>>) src(%dma_wait3A_6 : memref<100000x64xf32, #tpu.memory_space<hbm>>) dst(%arg6 : memref<104x64xf32, #tpu.memory_space<vmem>>)
    "tpu.region"() ({
      %run_scoped3A = tpu.sem_alloc : memref<!tpu.dma_semaphore, #tpu.memory_space<semaphore_mem>>
      %dma_start3A_7 = arith.constant 0 : i32
      %dma_start3A_8 = tpu.memref_slice %arg4[%mul3A_2, %dma_start3A_7] : memref<3328x64xf32, #tpu.memory_space<hbm>> -> memref<104x64xf32, #tpu.memory_space<hbm>>
      %dma_start3A_9 = arith.constant 0 : i32
      %dma_start3A_10 = tpu.memref_slice %arg4[%mul3A_2, %dma_start3A_9] : memref<3328x64xf32, #tpu.memory_space<hbm>> -> memref<104x64xf32, #tpu.memory_space<hbm>>
      tpu.enqueue_dma source(%arg6 : memref<104x64xf32, #tpu.memory_space<vmem>>) target(%dma_start3A_10 : memref<104x64xf32, #tpu.memory_space<hbm>>) target_semaphore(%run_scoped3A : memref<!tpu.dma_semaphore, #tpu.memory_space<semaphore_mem>>)
      %dma_wait3A_11 = arith.constant 0 : i32
      %dma_wait3A_12 = tpu.memref_slice %arg4[%mul3A_2, %dma_wait3A_11] : memref<3328x64xf32, #tpu.memory_space<hbm>> -> memref<104x64xf32, #tpu.memory_space<hbm>>
      %dma_wait3A_13 = arith.constant 0 : i32
      %dma_wait3A_14 = tpu.memref_slice %arg4[%mul3A_2, %dma_wait3A_13] : memref<3328x64xf32, #tpu.memory_space<hbm>> -> memref<104x64xf32, #tpu.memory_space<hbm>>
      tpu.wait_dma2 semaphore(%run_scoped3A : memref<!tpu.dma_semaphore, #tpu.memory_space<semaphore_mem>>) src(%arg6 : memref<104x64xf32, #tpu.memory_space<vmem>>) dst(%dma_wait3A_14 : memref<104x64xf32, #tpu.memory_space<hbm>>)
      tpu.yield
    }) : () -> ()
    return
  }
}

module attributes {stable_mosaic.version = 14 : i64} {
  func.func @_topk_body(%arg0: i32, %arg1: memref<640x64xf32, #tpu.memory_space<vmem>>, %arg2: memref<5000x64xf32, #tpu.memory_space<vmem>>, %arg3: memref<640x8xi32, #tpu.memory_space<vmem>>, %arg4: memref<640x8xf32, #tpu.memory_space<vmem>>, %arg5: memref<640x8xi32, #tpu.memory_space<vmem>>) attributes {dimension_semantics = [#tpu.dimension_semantics<arbitrary>], iteration_bounds = array<i64: 20>, scalar_prefetch = 0 : i64, scratch_operands = 2 : i64, tpu.core_type = #tpu.core_type<tc>, window_params = [{pipeline_mode = #tpu.pipeline_mode<synchronous>, transform_indices = @transform_0, window_bounds = array<i64: 640, 64>}, {transform_indices = @transform_1, window_bounds = array<i64: 5000, 64>}, {pipeline_mode = #tpu.pipeline_mode<synchronous>, transform_indices = @transform_2, window_bounds = array<i64: 640, 8>}]} {
    %eq3A = arith.constant 0 : i32
    %eq3A_0 = arith.cmpi eq, %arg0, %eq3A : i32
    %convert_element_type3A = arith.extui %eq3A_0 : i1 to i32
    %cond3A = arith.constant 0 : i32
    %cond3A_1 = arith.cmpi ne, %convert_element_type3A, %cond3A : i32
    scf.if %cond3A_1 {
      %broadcast_in_dim3A_237 = arith.constant 0xFF800000 : f32
      %broadcast_in_dim3A_238 = vector.broadcast %broadcast_in_dim3A_237 : f32 to vector<640x8xf32>
      %swap3A_239 = arith.constant 0 : index
      %swap3A_240 = arith.constant 0 : index
      %swap3A_241 = vector.load %arg4[%swap3A_239, %swap3A_240] : memref<640x8xf32, #tpu.memory_space<vmem>>, vector<640x8xf32>
      tpu.vector_store %arg4[%swap3A_239, %swap3A_240], %broadcast_in_dim3A_238 {strides = array<i32>} : memref<640x8xf32, #tpu.memory_space<vmem>>, vector<640x8xf32>,
      %broadcast_in_dim3A_242 = arith.constant 0 : i32
      %broadcast_in_dim3A_243 = vector.broadcast %broadcast_in_dim3A_242 : i32 to vector<640x8xi32>
      %swap3A_244 = arith.constant 0 : index
      %swap3A_245 = arith.constant 0 : index
      %swap3A_246 = vector.load %arg5[%swap3A_244, %swap3A_245] : memref<640x8xi32, #tpu.memory_space<vmem>>, vector<640x8xi32>
      tpu.vector_store %arg5[%swap3A_244, %swap3A_245], %broadcast_in_dim3A_243 {strides = array<i32>} : memref<640x8xi32, #tpu.memory_space<vmem>>, vector<640x8xi32>,
    } else {
    }
    %get3A = arith.constant 0 : index
    %get3A_2 = arith.constant 0 : index
    %get3A_3 = vector.load %arg1[%get3A, %get3A_2] : memref<640x64xf32, #tpu.memory_space<vmem>>, vector<640x64xf32>
    %mul3A = arith.mulf %get3A_3, %get3A_3 : vector<640x64xf32>
    %reduce_sum3A = arith.constant dense<0.000000e+00> : vector<640xf32>
    %reduce_sum3A_4 = vector.multi_reduction <add>, %mul3A, %reduce_sum3A [1] : vector<640x64xf32> to vector<640xf32>
    %broadcast_in_dim3A = vector.shape_cast %reduce_sum3A_4 : vector<640xf32> to vector<640x1xf32>
    %sqrt3A = math.sqrt %broadcast_in_dim3A : vector<640x1xf32>
    %div3A = vector.broadcast %sqrt3A : vector<640x1xf32> to vector<640x64xf32>
    %div3A_5 = arith.divf %get3A_3, %div3A : vector<640x64xf32>
    %get3A_6 = arith.constant 0 : index
    %get3A_7 = arith.constant 0 : index
    %get3A_8 = vector.load %arg2[%get3A_6, %get3A_7] : memref<5000x64xf32, #tpu.memory_space<vmem>>, vector<5000x64xf32>
    %mul3A_9 = arith.mulf %get3A_8, %get3A_8 : vector<5000x64xf32>
    %reduce_sum3A_10 = arith.constant dense<0.000000e+00> : vector<5000xf32>
    %reduce_sum3A_11 = vector.multi_reduction <add>, %mul3A_9, %reduce_sum3A_10 [1] : vector<5000x64xf32> to vector<5000xf32>
    %broadcast_in_dim3A_12 = vector.shape_cast %reduce_sum3A_11 : vector<5000xf32> to vector<5000x1xf32>
    %sqrt3A_13 = math.sqrt %broadcast_in_dim3A_12 : vector<5000x1xf32>
    %div3A_14 = vector.broadcast %sqrt3A_13 : vector<5000x1xf32> to vector<5000x64xf32>
    %div3A_15 = arith.divf %get3A_8, %div3A_14 : vector<5000x64xf32>
    %dot_general3A = arith.constant dense<0.000000e+00> : vector<640x5000xf32>
    %dot_general3A_16 = tpu.matmul %div3A_5, %div3A_15, %dot_general3A {dimension_numbers = #tpu.dot_dimension_numbers<[1], [1], [0], [0], [0, 0, 1, 0], [], []>, transpose_lhs_hint = false} : vector<640x64xf32>, vector<5000x64xf32>, vector<640x5000xf32> -> vector<640x5000xf32>
    %iota3A = tpu.iota {dimensions = array<i32: 1>} : vector<640x5000xi32>
    %convert_element_type3A_17 = arith.sitofp %iota3A : vector<640x5000xi32> to vector<640x5000xf32>
    %mul3A_18 = arith.constant 5000 : i32
    %mul3A_19 = arith.muli %arg0, %mul3A_18 : i32
    %reduce_max3A = arith.constant dense<0xFF800000> : vector<640xf32>
    %reduce_max3A_20 = vector.multi_reduction <maximumf>, %dot_general3A_16, %reduce_max3A [1] : vector<640x5000xf32> to vector<640xf32>
    %broadcast_in_dim3A_21 = vector.shape_cast %reduce_max3A_20 : vector<640xf32> to vector<640x1xf32>
    %eq3A_22 = vector.broadcast %broadcast_in_dim3A_21 : vector<640x1xf32> to vector<640x5000xf32>
    %eq3A_23 = arith.cmpf oeq, %dot_general3A_16, %eq3A_22 : vector<640x5000xf32>
    %jit3A = arith.constant 0x7F800000 : f32
    %broadcast_in_dim3A_24 = vector.broadcast %jit3A : f32 to vector<640x5000xf32>
    %select_n3A = arith.select %eq3A_23, %convert_element_type3A_17, %broadcast_in_dim3A_24 : vector<640x5000xi1>, vector<640x5000xf32>
    %reduce_min3A = arith.constant dense<0x7F800000> : vector<640xf32>
    %reduce_min3A_25 = vector.multi_reduction <minimumf>, %select_n3A, %reduce_min3A [1] : vector<640x5000xf32> to vector<640xf32>
    %broadcast_in_dim3A_26 = vector.shape_cast %reduce_min3A_25 : vector<640xf32> to vector<640x1xf32>
    %convert_element_type3A_27 = arith.fptosi %broadcast_in_dim3A_26 : vector<640x1xf32> to vector<640x1xi32>
    %add3A = vector.broadcast %mul3A_19 : i32 to vector<640x1xi32>
    %add3A_28 = arith.addi %convert_element_type3A_27, %add3A : vector<640x1xi32>
    %eq3A_29 = vector.broadcast %broadcast_in_dim3A_26 : vector<640x1xf32> to vector<640x5000xf32>
    %eq3A_30 = arith.cmpf oeq, %convert_element_type3A_17, %eq3A_29 : vector<640x5000xf32>
    %jit3A_31 = arith.constant 0xFF800000 : f32
    %broadcast_in_dim3A_32 = vector.broadcast %jit3A_31 : f32 to vector<640x5000xf32>
    %select_n3A_33 = arith.select %eq3A_30, %broadcast_in_dim3A_32, %dot_general3A_16 : vector<640x5000xi1>, vector<640x5000xf32>
    %reduce_max3A_34 = arith.constant dense<0xFF800000> : vector<640xf32>
    %reduce_max3A_35 = vector.multi_reduction <maximumf>, %select_n3A_33, %reduce_max3A_34 [1] : vector<640x5000xf32> to vector<640xf32>
    %broadcast_in_dim3A_36 = vector.shape_cast %reduce_max3A_35 : vector<640xf32> to vector<640x1xf32>
    %eq3A_37 = vector.broadcast %broadcast_in_dim3A_36 : vector<640x1xf32> to vector<640x5000xf32>
    %eq3A_38 = arith.cmpf oeq, %select_n3A_33, %eq3A_37 : vector<640x5000xf32>
    %jit3A_39 = arith.constant 0x7F800000 : f32
    %broadcast_in_dim3A_40 = vector.broadcast %jit3A_39 : f32 to vector<640x5000xf32>
    %select_n3A_41 = arith.select %eq3A_38, %convert_element_type3A_17, %broadcast_in_dim3A_40 : vector<640x5000xi1>, vector<640x5000xf32>
    %reduce_min3A_42 = arith.constant dense<0x7F800000> : vector<640xf32>
    %reduce_min3A_43 = vector.multi_reduction <minimumf>, %select_n3A_41, %reduce_min3A_42 [1] : vector<640x5000xf32> to vector<640xf32>
    %broadcast_in_dim3A_44 = vector.shape_cast %reduce_min3A_43 : vector<640xf32> to vector<640x1xf32>
    %convert_element_type3A_45 = arith.fptosi %broadcast_in_dim3A_44 : vector<640x1xf32> to vector<640x1xi32>
    %add3A_46 = vector.broadcast %mul3A_19 : i32 to vector<640x1xi32>
    %add3A_47 = arith.addi %convert_element_type3A_45, %add3A_46 : vector<640x1xi32>
    %eq3A_48 = vector.broadcast %broadcast_in_dim3A_44 : vector<640x1xf32> to vector<640x5000xf32>
    %eq3A_49 = arith.cmpf oeq, %convert_element_type3A_17, %eq3A_48 : vector<640x5000xf32>
    %jit3A_50 = arith.constant 0xFF800000 : f32
    %broadcast_in_dim3A_51 = vector.broadcast %jit3A_50 : f32 to vector<640x5000xf32>
    %select_n3A_52 = arith.select %eq3A_49, %broadcast_in_dim3A_51, %select_n3A_33 : vector<640x5000xi1>, vector<640x5000xf32>
    %reduce_max3A_53 = arith.constant dense<0xFF800000> : vector<640xf32>
    %reduce_max3A_54 = vector.multi_reduction <maximumf>, %select_n3A_52, %reduce_max3A_53 [1] : vector<640x5000xf32> to vector<640xf32>
    %broadcast_in_dim3A_55 = vector.shape_cast %reduce_max3A_54 : vector<640xf32> to vector<640x1xf32>
    %eq3A_56 = vector.broadcast %broadcast_in_dim3A_55 : vector<640x1xf32> to vector<640x5000xf32>
    %eq3A_57 = arith.cmpf oeq, %select_n3A_52, %eq3A_56 : vector<640x5000xf32>
    %jit3A_58 = arith.constant 0x7F800000 : f32
    %broadcast_in_dim3A_59 = vector.broadcast %jit3A_58 : f32 to vector<640x5000xf32>
    %select_n3A_60 = arith.select %eq3A_57, %convert_element_type3A_17, %broadcast_in_dim3A_59 : vector<640x5000xi1>, vector<640x5000xf32>
    %reduce_min3A_61 = arith.constant dense<0x7F800000> : vector<640xf32>
    %reduce_min3A_62 = vector.multi_reduction <minimumf>, %select_n3A_60, %reduce_min3A_61 [1] : vector<640x5000xf32> to vector<640xf32>
    %broadcast_in_dim3A_63 = vector.shape_cast %reduce_min3A_62 : vector<640xf32> to vector<640x1xf32>
    %convert_element_type3A_64 = arith.fptosi %broadcast_in_dim3A_63 : vector<640x1xf32> to vector<640x1xi32>
    %add3A_65 = vector.broadcast %mul3A_19 : i32 to vector<640x1xi32>
    %add3A_66 = arith.addi %convert_element_type3A_64, %add3A_65 : vector<640x1xi32>
    %eq3A_67 = vector.broadcast %broadcast_in_dim3A_63 : vector<640x1xf32> to vector<640x5000xf32>
    %eq3A_68 = arith.cmpf oeq, %convert_element_type3A_17, %eq3A_67 : vector<640x5000xf32>
    %jit3A_69 = arith.constant 0xFF800000 : f32
    %broadcast_in_dim3A_70 = vector.broadcast %jit3A_69 : f32 to vector<640x5000xf32>
    %select_n3A_71 = arith.select %eq3A_68, %broadcast_in_dim3A_70, %select_n3A_52 : vector<640x5000xi1>, vector<640x5000xf32>
    %reduce_max3A_72 = arith.constant dense<0xFF800000> : vector<640xf32>
    %reduce_max3A_73 = vector.multi_reduction <maximumf>, %select_n3A_71, %reduce_max3A_72 [1] : vector<640x5000xf32> to vector<640xf32>
    %broadcast_in_dim3A_74 = vector.shape_cast %reduce_max3A_73 : vector<640xf32> to vector<640x1xf32>
    %eq3A_75 = vector.broadcast %broadcast_in_dim3A_74 : vector<640x1xf32> to vector<640x5000xf32>
    %eq3A_76 = arith.cmpf oeq, %select_n3A_71, %eq3A_75 : vector<640x5000xf32>
    %jit3A_77 = arith.constant 0x7F800000 : f32
    %broadcast_in_dim3A_78 = vector.broadcast %jit3A_77 : f32 to vector<640x5000xf32>
    %select_n3A_79 = arith.select %eq3A_76, %convert_element_type3A_17, %broadcast_in_dim3A_78 : vector<640x5000xi1>, vector<640x5000xf32>
    %reduce_min3A_80 = arith.constant dense<0x7F800000> : vector<640xf32>
    %reduce_min3A_81 = vector.multi_reduction <minimumf>, %select_n3A_79, %reduce_min3A_80 [1] : vector<640x5000xf32> to vector<640xf32>
    %broadcast_in_dim3A_82 = vector.shape_cast %reduce_min3A_81 : vector<640xf32> to vector<640x1xf32>
    %convert_element_type3A_83 = arith.fptosi %broadcast_in_dim3A_82 : vector<640x1xf32> to vector<640x1xi32>
    %add3A_84 = vector.broadcast %mul3A_19 : i32 to vector<640x1xi32>
    %add3A_85 = arith.addi %convert_element_type3A_83, %add3A_84 : vector<640x1xi32>
    %eq3A_86 = vector.broadcast %broadcast_in_dim3A_82 : vector<640x1xf32> to vector<640x5000xf32>
    %eq3A_87 = arith.cmpf oeq, %convert_element_type3A_17, %eq3A_86 : vector<640x5000xf32>
    %jit3A_88 = arith.constant 0xFF800000 : f32
    %broadcast_in_dim3A_89 = vector.broadcast %jit3A_88 : f32 to vector<640x5000xf32>
    %select_n3A_90 = arith.select %eq3A_87, %broadcast_in_dim3A_89, %select_n3A_71 : vector<640x5000xi1>, vector<640x5000xf32>
    %reduce_max3A_91 = arith.constant dense<0xFF800000> : vector<640xf32>
    %reduce_max3A_92 = vector.multi_reduction <maximumf>, %select_n3A_90, %reduce_max3A_91 [1] : vector<640x5000xf32> to vector<640xf32>
    %broadcast_in_dim3A_93 = vector.shape_cast %reduce_max3A_92 : vector<640xf32> to vector<640x1xf32>
    %eq3A_94 = vector.broadcast %broadcast_in_dim3A_93 : vector<640x1xf32> to vector<640x5000xf32>
    %eq3A_95 = arith.cmpf oeq, %select_n3A_90, %eq3A_94 : vector<640x5000xf32>
    %jit3A_96 = arith.constant 0x7F800000 : f32
    %broadcast_in_dim3A_97 = vector.broadcast %jit3A_96 : f32 to vector<640x5000xf32>
    %select_n3A_98 = arith.select %eq3A_95, %convert_element_type3A_17, %broadcast_in_dim3A_97 : vector<640x5000xi1>, vector<640x5000xf32>
    %reduce_min3A_99 = arith.constant dense<0x7F800000> : vector<640xf32>
    %reduce_min3A_100 = vector.multi_reduction <minimumf>, %select_n3A_98, %reduce_min3A_99 [1] : vector<640x5000xf32> to vector<640xf32>
    %broadcast_in_dim3A_101 = vector.shape_cast %reduce_min3A_100 : vector<640xf32> to vector<640x1xf32>
    %convert_element_type3A_102 = arith.fptosi %broadcast_in_dim3A_101 : vector<640x1xf32> to vector<640x1xi32>
    %add3A_103 = vector.broadcast %mul3A_19 : i32 to vector<640x1xi32>
    %add3A_104 = arith.addi %convert_element_type3A_102, %add3A_103 : vector<640x1xi32>
    %get3A_105 = arith.constant 0 : index
    %get3A_106 = arith.constant 0 : index
    %get3A_107 = vector.load %arg4[%get3A_105, %get3A_106] : memref<640x8xf32, #tpu.memory_space<vmem>>, vector<640x5xf32>
    %concatenate3A = tpu.concatenate %get3A_107, %broadcast_in_dim3A_21, %broadcast_in_dim3A_36, %broadcast_in_dim3A_55, %broadcast_in_dim3A_74, %broadcast_in_dim3A_93 in 1 : vector<640x5xf32>, vector<640x1xf32>, vector<640x1xf32>, vector<640x1xf32>, vector<640x1xf32>, vector<640x1xf32> -> vector<640x10xf32>
    %get3A_108 = arith.constant 0 : index
    %get3A_109 = arith.constant 0 : index
    %get3A_110 = vector.load %arg5[%get3A_108, %get3A_109] : memref<640x8xi32, #tpu.memory_space<vmem>>, vector<640x5xi32>
    %concatenate3A_111 = tpu.concatenate %get3A_110, %add3A_28, %add3A_47, %add3A_66, %add3A_85, %add3A_104 in 1 : vector<640x5xi32>, vector<640x1xi32>, vector<640x1xi32>, vector<640x1xi32>, vector<640x1xi32>, vector<640x1xi32> -> vector<640x10xi32>
    %iota3A_112 = tpu.iota {dimensions = array<i32: 1>} : vector<640x10xi32>
    %reduce_max3A_113 = arith.constant dense<0xFF800000> : vector<640xf32>
    %reduce_max3A_114 = vector.multi_reduction <maximumf>, %concatenate3A, %reduce_max3A_113 [1] : vector<640x10xf32> to vector<640xf32>
    %broadcast_in_dim3A_115 = vector.shape_cast %reduce_max3A_114 : vector<640xf32> to vector<640x1xf32>
    %eq3A_116 = vector.broadcast %broadcast_in_dim3A_115 : vector<640x1xf32> to vector<640x10xf32>
    %eq3A_117 = arith.cmpf oeq, %concatenate3A, %eq3A_116 : vector<640x10xf32>
    %jit3A_118 = arith.constant 1073741824 : i32
    %broadcast_in_dim3A_119 = vector.broadcast %jit3A_118 : i32 to vector<640x10xi32>
    %select_n3A_120 = arith.select %eq3A_117, %iota3A_112, %broadcast_in_dim3A_119 : vector<640x10xi1>, vector<640x10xi32>
    %reduce_min3A_121 = arith.constant dense<2147483647> : vector<640xi32>
    %reduce_min3A_122 = vector.multi_reduction <minsi>, %select_n3A_120, %reduce_min3A_121 [1] : vector<640x10xi32> to vector<640xi32>
    %broadcast_in_dim3A_123 = vector.shape_cast %reduce_min3A_122 : vector<640xi32> to vector<640x1xi32>
    %eq3A_124 = vector.broadcast %broadcast_in_dim3A_123 : vector<640x1xi32> to vector<640x10xi32>
    %eq3A_125 = arith.cmpi eq, %iota3A_112, %eq3A_124 : vector<640x10xi32>
    %jit3A_126 = arith.constant 0 : i32
    %broadcast_in_dim3A_127 = vector.broadcast %jit3A_126 : i32 to vector<640x10xi32>
    %select_n3A_128 = arith.select %eq3A_125, %concatenate3A_111, %broadcast_in_dim3A_127 : vector<640x10xi1>, vector<640x10xi32>
    %reduce_sum3A_129 = arith.constant dense<0> : vector<640xi32>
    %reduce_sum3A_130 = vector.multi_reduction <add>, %select_n3A_128, %reduce_sum3A_129 [1] : vector<640x10xi32> to vector<640xi32>
    %broadcast_in_dim3A_131 = vector.shape_cast %reduce_sum3A_130 : vector<640xi32> to vector<640x1xi32>
    %jit3A_132 = arith.constant 0xFF800000 : f32
    %broadcast_in_dim3A_133 = vector.broadcast %jit3A_132 : f32 to vector<640x10xf32>
    %select_n3A_134 = arith.select %eq3A_125, %broadcast_in_dim3A_133, %concatenate3A : vector<640x10xi1>, vector<640x10xf32>
    %reduce_max3A_135 = arith.constant dense<0xFF800000> : vector<640xf32>
    %reduce_max3A_136 = vector.multi_reduction <maximumf>, %select_n3A_134, %reduce_max3A_135 [1] : vector<640x10xf32> to vector<640xf32>
    %broadcast_in_dim3A_137 = vector.shape_cast %reduce_max3A_136 : vector<640xf32> to vector<640x1xf32>
    %eq3A_138 = vector.broadcast %broadcast_in_dim3A_137 : vector<640x1xf32> to vector<640x10xf32>
    %eq3A_139 = arith.cmpf oeq, %select_n3A_134, %eq3A_138 : vector<640x10xf32>
    %jit3A_140 = arith.constant 1073741824 : i32
    %broadcast_in_dim3A_141 = vector.broadcast %jit3A_140 : i32 to vector<640x10xi32>
    %select_n3A_142 = arith.select %eq3A_139, %iota3A_112, %broadcast_in_dim3A_141 : vector<640x10xi1>, vector<640x10xi32>
    %reduce_min3A_143 = arith.constant dense<2147483647> : vector<640xi32>
    %reduce_min3A_144 = vector.multi_reduction <minsi>, %select_n3A_142, %reduce_min3A_143 [1] : vector<640x10xi32> to vector<640xi32>
    %broadcast_in_dim3A_145 = vector.shape_cast %reduce_min3A_144 : vector<640xi32> to vector<640x1xi32>
    %eq3A_146 = vector.broadcast %broadcast_in_dim3A_145 : vector<640x1xi32> to vector<640x10xi32>
    %eq3A_147 = arith.cmpi eq, %iota3A_112, %eq3A_146 : vector<640x10xi32>
    %jit3A_148 = arith.constant 0 : i32
    %broadcast_in_dim3A_149 = vector.broadcast %jit3A_148 : i32 to vector<640x10xi32>
    %select_n3A_150 = arith.select %eq3A_147, %concatenate3A_111, %broadcast_in_dim3A_149 : vector<640x10xi1>, vector<640x10xi32>
    %reduce_sum3A_151 = arith.constant dense<0> : vector<640xi32>
    %reduce_sum3A_152 = vector.multi_reduction <add>, %select_n3A_150, %reduce_sum3A_151 [1] : vector<640x10xi32> to vector<640xi32>
    %broadcast_in_dim3A_153 = vector.shape_cast %reduce_sum3A_152 : vector<640xi32> to vector<640x1xi32>
    %jit3A_154 = arith.constant 0xFF800000 : f32
    %broadcast_in_dim3A_155 = vector.broadcast %jit3A_154 : f32 to vector<640x10xf32>
    %select_n3A_156 = arith.select %eq3A_147, %broadcast_in_dim3A_155, %select_n3A_134 : vector<640x10xi1>, vector<640x10xf32>
    %reduce_max3A_157 = arith.constant dense<0xFF800000> : vector<640xf32>
    %reduce_max3A_158 = vector.multi_reduction <maximumf>, %select_n3A_156, %reduce_max3A_157 [1] : vector<640x10xf32> to vector<640xf32>
    %broadcast_in_dim3A_159 = vector.shape_cast %reduce_max3A_158 : vector<640xf32> to vector<640x1xf32>
    %eq3A_160 = vector.broadcast %broadcast_in_dim3A_159 : vector<640x1xf32> to vector<640x10xf32>
    %eq3A_161 = arith.cmpf oeq, %select_n3A_156, %eq3A_160 : vector<640x10xf32>
    %jit3A_162 = arith.constant 1073741824 : i32
    %broadcast_in_dim3A_163 = vector.broadcast %jit3A_162 : i32 to vector<640x10xi32>
    %select_n3A_164 = arith.select %eq3A_161, %iota3A_112, %broadcast_in_dim3A_163 : vector<640x10xi1>, vector<640x10xi32>
    %reduce_min3A_165 = arith.constant dense<2147483647> : vector<640xi32>
    %reduce_min3A_166 = vector.multi_reduction <minsi>, %select_n3A_164, %reduce_min3A_165 [1] : vector<640x10xi32> to vector<640xi32>
    %broadcast_in_dim3A_167 = vector.shape_cast %reduce_min3A_166 : vector<640xi32> to vector<640x1xi32>
    %eq3A_168 = vector.broadcast %broadcast_in_dim3A_167 : vector<640x1xi32> to vector<640x10xi32>
    %eq3A_169 = arith.cmpi eq, %iota3A_112, %eq3A_168 : vector<640x10xi32>
    %jit3A_170 = arith.constant 0 : i32
    %broadcast_in_dim3A_171 = vector.broadcast %jit3A_170 : i32 to vector<640x10xi32>
    %select_n3A_172 = arith.select %eq3A_169, %concatenate3A_111, %broadcast_in_dim3A_171 : vector<640x10xi1>, vector<640x10xi32>
    %reduce_sum3A_173 = arith.constant dense<0> : vector<640xi32>
    %reduce_sum3A_174 = vector.multi_reduction <add>, %select_n3A_172, %reduce_sum3A_173 [1] : vector<640x10xi32> to vector<640xi32>
    %broadcast_in_dim3A_175 = vector.shape_cast %reduce_sum3A_174 : vector<640xi32> to vector<640x1xi32>
    %jit3A_176 = arith.constant 0xFF800000 : f32
    %broadcast_in_dim3A_177 = vector.broadcast %jit3A_176 : f32 to vector<640x10xf32>
    %select_n3A_178 = arith.select %eq3A_169, %broadcast_in_dim3A_177, %select_n3A_156 : vector<640x10xi1>, vector<640x10xf32>
    %reduce_max3A_179 = arith.constant dense<0xFF800000> : vector<640xf32>
    %reduce_max3A_180 = vector.multi_reduction <maximumf>, %select_n3A_178, %reduce_max3A_179 [1] : vector<640x10xf32> to vector<640xf32>
    %broadcast_in_dim3A_181 = vector.shape_cast %reduce_max3A_180 : vector<640xf32> to vector<640x1xf32>
    %eq3A_182 = vector.broadcast %broadcast_in_dim3A_181 : vector<640x1xf32> to vector<640x10xf32>
    %eq3A_183 = arith.cmpf oeq, %select_n3A_178, %eq3A_182 : vector<640x10xf32>
    %jit3A_184 = arith.constant 1073741824 : i32
    %broadcast_in_dim3A_185 = vector.broadcast %jit3A_184 : i32 to vector<640x10xi32>
    %select_n3A_186 = arith.select %eq3A_183, %iota3A_112, %broadcast_in_dim3A_185 : vector<640x10xi1>, vector<640x10xi32>
    %reduce_min3A_187 = arith.constant dense<2147483647> : vector<640xi32>
    %reduce_min3A_188 = vector.multi_reduction <minsi>, %select_n3A_186, %reduce_min3A_187 [1] : vector<640x10xi32> to vector<640xi32>
    %broadcast_in_dim3A_189 = vector.shape_cast %reduce_min3A_188 : vector<640xi32> to vector<640x1xi32>
    %eq3A_190 = vector.broadcast %broadcast_in_dim3A_189 : vector<640x1xi32> to vector<640x10xi32>
    %eq3A_191 = arith.cmpi eq, %iota3A_112, %eq3A_190 : vector<640x10xi32>
    %jit3A_192 = arith.constant 0 : i32
    %broadcast_in_dim3A_193 = vector.broadcast %jit3A_192 : i32 to vector<640x10xi32>
    %select_n3A_194 = arith.select %eq3A_191, %concatenate3A_111, %broadcast_in_dim3A_193 : vector<640x10xi1>, vector<640x10xi32>
    %reduce_sum3A_195 = arith.constant dense<0> : vector<640xi32>
    %reduce_sum3A_196 = vector.multi_reduction <add>, %select_n3A_194, %reduce_sum3A_195 [1] : vector<640x10xi32> to vector<640xi32>
    %broadcast_in_dim3A_197 = vector.shape_cast %reduce_sum3A_196 : vector<640xi32> to vector<640x1xi32>
    %jit3A_198 = arith.constant 0xFF800000 : f32
    %broadcast_in_dim3A_199 = vector.broadcast %jit3A_198 : f32 to vector<640x10xf32>
    %select_n3A_200 = arith.select %eq3A_191, %broadcast_in_dim3A_199, %select_n3A_178 : vector<640x10xi1>, vector<640x10xf32>
    %reduce_max3A_201 = arith.constant dense<0xFF800000> : vector<640xf32>
    %reduce_max3A_202 = vector.multi_reduction <maximumf>, %select_n3A_200, %reduce_max3A_201 [1] : vector<640x10xf32> to vector<640xf32>
    %broadcast_in_dim3A_203 = vector.shape_cast %reduce_max3A_202 : vector<640xf32> to vector<640x1xf32>
    %eq3A_204 = vector.broadcast %broadcast_in_dim3A_203 : vector<640x1xf32> to vector<640x10xf32>
    %eq3A_205 = arith.cmpf oeq, %select_n3A_200, %eq3A_204 : vector<640x10xf32>
    %jit3A_206 = arith.constant 1073741824 : i32
    %broadcast_in_dim3A_207 = vector.broadcast %jit3A_206 : i32 to vector<640x10xi32>
    %select_n3A_208 = arith.select %eq3A_205, %iota3A_112, %broadcast_in_dim3A_207 : vector<640x10xi1>, vector<640x10xi32>
    %reduce_min3A_209 = arith.constant dense<2147483647> : vector<640xi32>
    %reduce_min3A_210 = vector.multi_reduction <minsi>, %select_n3A_208, %reduce_min3A_209 [1] : vector<640x10xi32> to vector<640xi32>
    %broadcast_in_dim3A_211 = vector.shape_cast %reduce_min3A_210 : vector<640xi32> to vector<640x1xi32>
    %eq3A_212 = vector.broadcast %broadcast_in_dim3A_211 : vector<640x1xi32> to vector<640x10xi32>
    %eq3A_213 = arith.cmpi eq, %iota3A_112, %eq3A_212 : vector<640x10xi32>
    %jit3A_214 = arith.constant 0 : i32
    %broadcast_in_dim3A_215 = vector.broadcast %jit3A_214 : i32 to vector<640x10xi32>
    %select_n3A_216 = arith.select %eq3A_213, %concatenate3A_111, %broadcast_in_dim3A_215 : vector<640x10xi1>, vector<640x10xi32>
    %reduce_sum3A_217 = arith.constant dense<0> : vector<640xi32>
    %reduce_sum3A_218 = vector.multi_reduction <add>, %select_n3A_216, %reduce_sum3A_217 [1] : vector<640x10xi32> to vector<640xi32>
    %broadcast_in_dim3A_219 = vector.shape_cast %reduce_sum3A_218 : vector<640xi32> to vector<640x1xi32>
    %broadcast_in_dim3A_220 = arith.constant 0xFF800000 : f32
    %broadcast_in_dim3A_221 = vector.broadcast %broadcast_in_dim3A_220 : f32 to vector<640x3xf32>
    %broadcast_in_dim3A_222 = arith.constant 0 : i32
    %broadcast_in_dim3A_223 = vector.broadcast %broadcast_in_dim3A_222 : i32 to vector<640x3xi32>
    %concatenate3A_224 = tpu.concatenate %broadcast_in_dim3A_115, %broadcast_in_dim3A_137, %broadcast_in_dim3A_159, %broadcast_in_dim3A_181, %broadcast_in_dim3A_203, %broadcast_in_dim3A_221 in 1 : vector<640x1xf32>, vector<640x1xf32>, vector<640x1xf32>, vector<640x1xf32>, vector<640x1xf32>, vector<640x3xf32> -> vector<640x8xf32>
    %swap3A = arith.constant 0 : index
    %swap3A_225 = arith.constant 0 : index
    %swap3A_226 = vector.load %arg4[%swap3A, %swap3A_225] : memref<640x8xf32, #tpu.memory_space<vmem>>, vector<640x8xf32>
    tpu.vector_store %arg4[%swap3A, %swap3A_225], %concatenate3A_224 {strides = array<i32>} : memref<640x8xf32, #tpu.memory_space<vmem>>, vector<640x8xf32>,
    %concatenate3A_227 = tpu.concatenate %broadcast_in_dim3A_131, %broadcast_in_dim3A_153, %broadcast_in_dim3A_175, %broadcast_in_dim3A_197, %broadcast_in_dim3A_219, %broadcast_in_dim3A_223 in 1 : vector<640x1xi32>, vector<640x1xi32>, vector<640x1xi32>, vector<640x1xi32>, vector<640x1xi32>, vector<640x3xi32> -> vector<640x8xi32>
    %swap3A_228 = arith.constant 0 : index
    %swap3A_229 = arith.constant 0 : index
    %swap3A_230 = vector.load %arg5[%swap3A_228, %swap3A_229] : memref<640x8xi32, #tpu.memory_space<vmem>>, vector<640x8xi32>
    tpu.vector_store %arg5[%swap3A_228, %swap3A_229], %concatenate3A_227 {strides = array<i32>} : memref<640x8xi32, #tpu.memory_space<vmem>>, vector<640x8xi32>,
    %get3A_231 = arith.constant 0 : index
    %get3A_232 = arith.constant 0 : index
    %get3A_233 = vector.load %arg5[%get3A_231, %get3A_232] : memref<640x8xi32, #tpu.memory_space<vmem>>, vector<640x8xi32>
    %swap3A_234 = arith.constant 0 : index
    %swap3A_235 = arith.constant 0 : index
    %swap3A_236 = vector.load %arg3[%swap3A_234, %swap3A_235] : memref<640x8xi32, #tpu.memory_space<vmem>>, vector<640x8xi32>
    tpu.vector_store %arg3[%swap3A_234, %swap3A_235], %get3A_233 {strides = array<i32>} : memref<640x8xi32, #tpu.memory_space<vmem>>, vector<640x8xi32>,
    return
  }
  func.func @transform_0(%arg0: i32) -> (i32, i32) {
    %c0_i32 = arith.constant 0 : i32
    %c0_i32_0 = arith.constant 0 : i32
    %c0_i32_1 = arith.constant 0 : i32
    return %c0_i32, %c0_i32_0 : i32, i32
  }
  func.func @transform_1(%arg0: i32) -> (i32, i32) {
    %c0_i32 = arith.constant 0 : i32
    %c0_i32_0 = arith.constant 0 : i32
    return %arg0, %c0_i32 : i32, i32
  }
  func.func @transform_2(%arg0: i32) -> (i32, i32) {
    %c0_i32 = arith.constant 0 : i32
    %c0_i32_0 = arith.constant 0 : i32
    %c0_i32_1 = arith.constant 0 : i32
    return %c0_i32, %c0_i32_0 : i32, i32
  }
}

</mosaic_0001>

<sc_bundles>
// kernel: kernel.4.cloned.1.call-start
scs
__scs_entry_jumppad:
0x0: {  	(pc) =	sbr.rel $0x88, $3  }
0x1: {  	(tag) =	ssettag $0x0;
	lr =	simm.s32 $0x1  }
0x2: {  	[smem:$0x3F9F] =	sst lr;
	_ =	strace $0xD0000000  }
0x3: {  	_ = 	snop  }
0x4: {  	_ = 	snop  }
0x5: {  	_ = 	snop  }
0x6: {  	_ = 	snop  }
0x7: {  	_ = 	snop  }
__scs_overlays_trampoline_lowered:
0x8: {  	[smem:$0x3FAE] =	sst s0  }
0x9: {  	[smem:$0x3FAF] =	sst s1  }
0xa: {  	[smem:$0x3FB0] =	sst s2  }
0xb: {  	[smem:$0x3FB1] =	sst s3  }
0xc: {  	[smem:$0x3FB2] =	sst s4  }
0xd: {  	[smem:$0x3FB3] =	sst s5  }
0xe: {  	[smem:$0x3FB4] =	sst s6  }
0xf: {  	[smem:$0x3FB5] =	sst s7  }
0x10: {  	[smem:$0x3FB6] =	sst s8  }
0x11: {  	[smem:$0x3FB7] =	sst s9;
	s0 =	simm.s32 @!p0 $0x0  }
0x12: {  	s1 =	sld [smem:$0x3F9D];
	s0 =	simm.s32 @p0 $0x1  }
0x13: {  	[smem:$0x3FB8] =	sst s0;
	s0 =	simm.s32 @!p1 $0x0  }
0x14: {  	s2 =	sld [smem:$0x3F9C];
	s0 =	simm.s32 @p1 $0x1  }
0x15: {  	[smem:$0x3FB9] =	sst s0;
	s0 =	simm.s32 @!p2 $0x0  }
0x16: {  	s3 =	sld [smem:$0x3FDB];
	s0 =	simm.s32 @p2 $0x1  }
0x17: {  	s4 =	simm.s32 $0x1BF5;
	[smem:$0x3FBB] =	sst s0  }
0x18: {  	s0 =	sld [smem:$0x3F9E];
	_ =	swait.ge [sflag:s4], $0x0  }
0x19: {  	s7 =	sld [smem:$0x3F9F]  }
0x1a: {  	s8 =	sadd.s32 $0xFFFFE003, lr  }
0x1b: {  	s9 =	sadd.s32 $0xFFFFFEF7, lr;
	s5 =	simm.s32 $0xFFFFFFFF;
	p2 =	slt.u32 s8, $0xFFFFF086  }
0x1c: {  	p1 =	slt.u32 s9, $0xF7A;
	s5 =	simm.s32 @!p2 $0x0  }
0x1d: {  	s5 =	simm.s32 @p1 $0x1;
	p0 =	seq.s32 s7, s2  }
0x1e: {  	s7 =	smul.u32 @!p0 $0xF7A, s2;
	p2 =	seq.s32 @!p0 s5, $0x0  }
0x1f: {  	s9 =	smul.u32 $0xF7A, s1;
	s8 =	simm.s32 @!p0 $0x1BF5;
	p2 =	por !p2, p0  }
0x20: {  	[sflag:s8] =	ssyncset.s32 @!p0 $0xFFFFF086;
	s6 =	sadd.s32 @!p0 s3, s7;
	s7 =	simm.s32 @!p0 $0x108  }
0x21: {  	s3 =	sadd.s32 s3, s9;
	s6 =	sadd.s32 @!p0 $0x88, s6;
	s7 =	simm.s32 @p2 $0x1082  }
0x22: {  	[simem:s7], [sflag:s8] =	dma.local @!p0 [hbm:s6], $0xF7A  }
0x23: {  	s9 =	sor.u32 $0xD0000000, s2;
	s6 =	simm.s32 $0x108;
	_ =	swait.ge @!p0 [sflag:s8], $0x0  }
0x24: {  	s3 =	sadd.s32 $0x88, s3;
	s6 =	simm.s32 @!p1 $0x1082;
	[sflag:s4] =	ssyncset.s32 $0xFFFFF086  }
0x25: {  	[simem:s6], [sflag:s4] =	dma.local [hbm:s3], $0xF7A  }
0x26: {  	[smem:$0x3F9F] =	sst s1;
	(tag) =	ssettag s2;
	_ =	strace s9  }
0x27: {  	s1 =	sld [smem:$0x3FAF]  }
0x28: {  	s2 =	sld [smem:$0x3FB0]  }
0x29: {  	s4 =	sld [smem:$0x3FB2]  }
0x2a: {  	p0 =	seq.s32 s5, $0x0;
	s5 =	sld [smem:$0x3FB3]  }
0x2b: {  	s6 =	sld [smem:$0x3FB4]  }
0x2c: {  	s7 =	sld [smem:$0x3FB5]  }
0x2d: {  	s3 =	simm.s32 $0x108;
	s8 =	sld [smem:$0x3FB6]  }
0x2e: {  	s3 =	simm.s32 @!p0 $0x1082;
	s9 =	sld [smem:$0x3FB7]  }
0x2f: {  	lr =	sadd.s32 s0, s3;
	s0 =	sld [smem:$0x3FAE]  }
0x30: {  	s3 =	sld [smem:$0x3FB1]  }
0x31: {  	[smem:$0x3FBA] =	sst s10  }
0x32: {  	s10 =	sld [smem:$0x3FB8];
	_ =	sdelay $0x3  }
0x33: {  	p0 =	seq.s32 s10, $0x1;
	s10 =	sld [smem:$0x3FBA];
	_ =	sdelay $0x3  }
0x34: {  	[smem:$0x3FBA] =	sst s10  }
0x35: {  	s10 =	sld [smem:$0x3FB9];
	_ =	sdelay $0x3  }
0x36: {  	p1 =	seq.s32 s10, $0x1;
	s10 =	sld [smem:$0x3FBA];
	_ =	sdelay $0x3  }
0x37: {  	[smem:$0x3FBA] =	sst s10  }
0x38: {  	s10 =	sld [smem:$0x3FBB]  }
0x39: {  	_ = 	snop;
	(pc) =	sbr.ind lr, $3  }
0x3a: {  	_ = 	snop  }
0x3b: {  	_ = 	snop  }
0x3c: {  	p2 =	seq.s32 s10, $0x1;
	s10 =	sld [smem:$0x3FBA]  }
0x3d: {  	_ =	shalt  }
0x3e: {  	_ =	shalt  }
0x3f: {  	_ =	shalt  }
0x40: {  	_ =	shalt  }
0x41: {  	_ =	shalt  }
0x42: {  	_ =	shalt  }
0x43: {  	_ =	shalt  }
0x44: {  	_ =	shalt  }
0x45: {  	_ =	shalt  }
0x46: {  	_ =	shalt  }
0x47: {  	_ =	shalt  }
0x48: {  	_ =	shalt  }
0x49: {  	_ =	shalt  }
0x4a: {  	_ =	shalt  }
0x4b: {  	_ =	shalt  }
0x4c: {  	_ =	shalt  }
0x4d: {  	_ =	shalt  }
0x4e: {  	_ =	shalt  }
0x4f: {  	_ =	shalt  }
0x50: {  	_ =	shalt  }
0x51: {  	_ =	shalt  }
0x52: {  	_ =	shalt  }
0x53: {  	_ =	shalt  }
0x54: {  	_ =	shalt  }
0x55: {  	_ =	shalt  }
0x56: {  	_ =	shalt  }
0x57: {  	_ =	shalt  }
0x58: {  	_ =	shalt  }
0x59: {  	_ =	shalt  }
0x5a: {  	_ =	shalt  }
0x5b: {  	_ =	shalt  }
0x5c: {  	_ =	shalt  }
0x5d: {  	_ =	shalt  }
0x5e: {  	_ =	shalt  }
0x5f: {  	_ =	shalt  }
0x60: {  	_ =	shalt  }
0x61: {  	_ =	shalt  }
0x62: {  	_ =	shalt  }
0x63: {  	_ =	shalt  }
0x64: {  	_ =	shalt  }
0x65: {  	_ =	shalt  }
0x66: {  	_ =	shalt  }
0x67: {  	_ =	shalt  }
0x68: {  	_ =	shalt  }
0x69: {  	_ =	shalt  }
0x6a: {  	_ =	shalt  }
0x6b: {  	_ =	shalt  }
0x6c: {  	_ =	shalt  }
0x6d: {  	_ =	shalt  }
0x6e: {  	_ =	shalt  }
0x6f: {  	_ =	shalt  }
0x70: {  	_ =	shalt  }
0x71: {  	_ =	shalt  }
0x72: {  	_ =	shalt  }
0x73: {  	_ =	shalt  }
0x74: {  	_ =	shalt  }
0x75: {  	_ =	shalt  }
0x76: {  	_ =	shalt  }
0x77: {  	_ =	shalt  }
0x78: {  	_ =	shalt  }
0x79: {  	_ =	shalt  }
0x7a: {  	_ =	shalt  }
0x7b: {  	_ =	shalt  }
0x7c: {  	_ =	shalt  }
0x7d: {  	_ =	shalt  }
0x7e: {  	_ =	shalt  }
0x7f: {  	_ =	shalt  }
0x80: {  	_ =	shalt  }
0x81: {  	_ =	shalt  }
0x82: {  	_ =	shalt  }
0x83: {  	_ =	shalt  }
0x84: {  	_ =	shalt  }
0x85: {  	_ =	shalt  }
0x86: {  	_ =	shalt  }
0x87: {  	_ =	shalt  }
.Lfunc_end0:
.L_simem_size_0:
called_computation_lowered:
.L_overlay_start_0:
0x88: {  	s2 =	sld [smem:$0x3FD9]  }
0x89: {  	s3 =	sld [smem:$0x3FFE];
	_ =	sdelay $0x1  }
0x8a: {  	s1 =	srdreg.scid  }
0x8b: {  	s0 =	sand.u32 $0x1, s1  }
0x8c: {  	s17 =	sshll.u32 s0, $0xA;
	s2 =	sadd.s32 s3, s2  }
0x8d: {  	s2 =	sadd.s32 s2, s17  }
0x8e: {  	[smem:$0x3FC6] =	sst s2  }
0x8f: {  	_ = 	snop  }
0x90: {  	s2 =	sld [smem:$0x3FD0];
	(tm) =	ssettm $0x1  }
0x91: {  	s18 =	sld [smem:$0x3FFB];
	_ =	sdelay $0x3  }
0x92: {  	_ =	strace s18  }
0x93: {  	s3 =	sld [smem:$0x3FFC];
	_ =	sdelay $0x3  }
0x94: {  	_ =	strace s3  }
0x95: {  	s3 =	sld [smem:$0x3FFD];
	_ =	sdelay $0x3  }
0x96: {  	_ =	strace s3  }
0x97: {  	_ =	strace $0x8FFFFFFF  }
0x98: {  	s19 =	sld [smem:$0x3FDB];
	_ =	sdelay $0x1  }
0x99: {  	s4 =	simm.s32 $_scs_section_size  }
0x9a: {  	s5 =	simm.s32 $_size__tile_overlayer_lowered;
	s6 =	simm.s32 $_tile_overlayer_lowered  }
0x9b: {  	s22 =	simm.s32 $0x1BFF;
	s21 =	sshll.u32 s6, $0x1;
	s3 =	sadd.s32 s4, s19  }
0x9c: {  	s7 =	simm.s32 $0x0;
	s20 =	sshll.u32 s5, $0x1;
	s5 =	sadd.s32 s21, s3  }
0x9d: {  	[timem:s7], [sflag:s22] =	dma.local [hbm:s5], s20  }
0x9e: {  	_ =	swait.ge [sflag:s22], s20  }
0x9f: {  	s4 =	ssub.s32 $0x0, s20;
	[sflag:s22] =	ssyncset.done $0x0  }
0xa0: {  	[sflag:s22] =	ssyncadd.s32 s4;
	_ =	sdelay $0x1  }
0xa1: {  	s23 =	simm.s32 $0x1B8B  }
0xa2: {  	_ =	swait.ge [sflag:s23], $0x1  }
0xa3: {  	[sflag:s23] =	ssyncset.done $0x0  }
0xa4: {  	s25 =	simm.s32 $0x1B8E;
	s24 =	sld [smem:$0x3FFE];
	[sflag:s23] =	ssyncadd.s32 $0xFFFFFFFF  }
0xa5: {  	s26 =	simm.s32 $execute0_lowered;
	[smem:$0x3FD2] =	sst s25  }
0xa6: {  	s5 =	sshll.u32 s26, $0x1;
	_ =	strace $0x80000046;
	[dreg:$0x1] =	wrdreg $0xFFFFFFFF  }
0xa7: {  	s28 =	simm.s32 $_size_execute0_lowered;
	s3 =	sadd.s32 s3, s5;
	[dreg:$0x0] =	wrdreg $0x0  }
0xa8: {  	s5 =	sshll.u32 s28, $0x1;
	[dreg:$0x2] =	wrdreg s3  }
0xa9: {  	[dreg:$0x3] =	wrdreg s5  }
0xaa: {  	[dreg:$0x4] =	wrdreg $0xC0  }
0xab: {  	_ =	task [dreg:s7], $0x5FFFF  }
0xac: {  	[dreg:$0x1] =	wrdreg $0xFFFFFFFF  }
0xad: {  	[dreg:$0x0] =	wrdreg $0x60  }
0xae: {  	[dreg:$0x2] =	wrdreg s24  }
0xaf: {  	[dreg:$0x3] =	wrdreg s2  }
0xb0: {  	[dreg:$0x4] =	wrdreg $0x9  }
0xb1: {  	_ =	task.clear_ibuf [dreg:s7], $0x5FFFF;
	_ =	strace $0x90000046  }
0xb2: {  	s29 =	simm.s32 $0x9;
	_ =	strace $0x80000048  }
0xb3: {  	_ =	swait.ge [sflag:s29], $0x1  }
0xb4: {  	[sflag:s29] =	ssyncadd.s32 $0xFFFFFFFF  }
0xb5: {  	_ =	strace $0x90000048  }
0xb6: {  	_ =	sfence  }
0xb7: {  	s30 =	sld [smem:$0x0];
	_ =	sdelay $0x2  }
0xb8: {  	s31 =	sshll.u32 s1, $0xD;
	s1 =	sshrl.u32 s1, $0x2  }
0xb9: {  	s3 =	sand.u32 $0x4000, s31;
	s1 =	sadd.s32 s1, s30  }
0xba: {  	s0 =	sor.u32 s3, s0;
	s1 =	sshll.u32 s1, $0x11  }
0xbb: {  	s0 =	sor.u32 s1, s0  }
0xbc: {  	s0 =	sadd.s32 $0x8F2B, s0  }
0xbd: {  	[sflag:s0] =	ssyncadd.remote.s32 $0x1  }
0xbe: {  	_ =	sfence.sel $0xFFFF  }
0xbf: {  	[dreg:$0x0] =	wrdreg $0xFFFFFFFF;
	(pc) =	sbr.abs _section_cstart, $3  }
0xc0: {  	[dreg:$0x1] =	wrdreg $0xFFFFFFFF  }
0xc1: {  	_ =	task.clear_ibuf [dreg:s7], $0x2FFFF;
	_ =	strace $0x9FFFFFFF  }
0xc2: {  	(tm) =	ssettm $0x7FFFFFFF  }
0xc3: {  	_ =	shalt  }
tec
execute0_lowered:
.L_overlay_start_1:
0x0: {  	(tag) =	ssettag $0x1  }
0x1: {  	s1 =	srdreg.scid  }
0x2: {  	s0 =	stileid.u32;
	s8 =	rddreg [dreg:$0x0]  }
0x3: {  	s3 =	rddreg [dreg:$0x1];
	s6 =	sand.u32 $0x1, s1;
	s30 =	sshll.u32 s0, $0x1  }
0x4: {  	s2 =	simm.s32 $0x0;
	s1 =	rddreg [dreg:$0x2];
	s7 =	sor.u32 s6, s30  }
0x5: {  	[smem:$0x7FF] =	sst s2;
	s4 =	smul.u32 $0xD, s7  }
0x6: {  	s5 =	sadd.s32 $0x186E00, s8;
	_ =	strace $0x80000047;
	s10 =	ssub.s32 $0x2, s6  }
0x7: {  	s6 =	simm.s32 $0x68;
	s4 =	sadd.s32 s3, s4;
	s3 =	simm.s32 $0x2  }
0x8: {  	[tilespmem:s2], [sflag:$0x2] =	stream.linear.gather [hbm4b:s4+s2], $0x68, $0x38;
	[tilespmem:$0x1A68] =	vst v63  }
0x9: {  	s9 =	smul.u32 $0x340, s7;
	s11 =	sshrl.u32 s10, $0x1;
	_ =	swait.ge [sflag:s3], $0x68  }
0xa: {  	s7 =	simm.s32 $0x1;
	s31 =	ssub.s32 s10, s11;
	[sflag:s3] =	ssyncset.done $0x0  }
0xb: {  	s8 =	sadd.s32 s9, s8;
	s9 =	smax.u32 s31, $0x1;
	[sflag:s3] =	ssyncadd.s32 $0xFFFFFF98  }
0xc: {  	[tilespmem:s6], [sflag:$0x1] =	stream.indirect.gather [hbm4b:s5+s6], $0x40, s2, s6, $0xb8;
	[tilespmem:$0x1A68] =	vst v63  }
0xd: {  	p0 =	sne.s32 s9, $0x1;
	_ =	swait.ge [sflag:s7], $0x1A00  }
.Ltmp0:
0xe: {  	[sflag:s7] =	ssyncset.done $0x0;
	(pc) =	sbr.rel @!p0 .LBB2_2-.Ltmp0, $4  }
0xf: {  	s8 =	sadd.s32 $0x400, s8;
	[sflag:s7] =	ssyncadd.s32 $0xFFFFE600  }
0x10: {  	[hbm4b:s8+s2] =	stream.linear.scatter [tilespmem:s6], [sflag:$0x2], $0x1A00, $0x38;
	[tilespmem:$0x1A68] =	vst v63  }
0x11: {  	_ =	swait.ge [sflag:s3], $0x1A00  }
0x12: {  	s9 =	sadd.s32 $0xFFFFFFFF, s9;
	[sflag:s3] =	ssyncset.done $0x0  }
.LBB2_1:
0x13: {  	p0 =	sne.s32 s9, $0x1;
	s9 =	sadd.s32 $0xFFFFFFFF, s9;
	[sflag:s3] =	ssyncadd.s32 $0xFFFFE600  }
0x14: {  	[tilespmem:s2], [sflag:$0x2] =	stream.linear.gather [hbm4b:s4+s2], $0x68, $0x38;
	[tilespmem:$0x1A68] =	vst v63  }
0x15: {  	_ =	swait.ge [sflag:s3], $0x68  }
0x16: {  	[sflag:s3] =	ssyncset.done $0x0  }
0x17: {  	[sflag:s3] =	ssyncadd.s32 $0xFFFFFF98  }
0x18: {  	[tilespmem:s6], [sflag:$0x1] =	stream.indirect.gather [hbm4b:s5+s6], $0x40, s2, s6, $0xb8;
	[tilespmem:$0x1A68] =	vst v63  }
0x19: {  	_ =	swait.ge [sflag:s7], $0x1A00  }
.Ltmp1:
0x1a: {  	[sflag:s7] =	ssyncset.done $0x0;
	(pc) =	sbr.rel @p0 .LBB2_1-.Ltmp1, $4  }
0x1b: {  	[sflag:s7] =	ssyncadd.s32 $0xFFFFE600  }
0x1c: {  	[hbm4b:s8+s2] =	stream.linear.scatter [tilespmem:s6], [sflag:$0x2], $0x1A00, $0x38;
	[tilespmem:$0x1A68] =	vst v63  }
0x1d: {  	_ =	swait.ge [sflag:s3], $0x1A00  }
0x1e: {  	[sflag:s3] =	ssyncset.done $0x0  }
.LBB2_2:
0x1f: {  	[sflag:s3] =	ssyncadd.s32 $0xFFFFE600  }
0x20: {  	_ =	sfence.sel $0x180000  }
0x21: {  	[bflag:$0x0] =	sbarrier.arrive $0xFFFF  }
0x22: {  	p0 =	sne.s32 s0, $0x0;
	_ =	strace $0x90000047  }
0x23: {  	s0 =	sadd.s32 @!p0 $0x100000, s1;
	[bflag:$0x2] =	sbarrier.arrive $0xFFFF  }
0x24: {  	[sflag:s0] =	ssyncadd.tile.s32 @!p0 $0x1;
	_ =	shalt  }
.Lfunc_end2:
_tile_overlayer_lowered:
.L_overlay_start_2:
0x25: {  	(tag) =	ssettag $0x2  }
0x26: {  	s0 =	rddreg [dreg:$0x0];
	s2 =	stileid.u32  }
0x27: {  	s1 =	rddreg [dreg:$0x1];
	p0 =	sne.s32 s2, $0x0  }
0x28: {  	s3 =	rddreg [dreg:$0x2];
	[bflag:$0x3] =	sbarrier.arrive $0xFFFF;
	s2 =	simm.s32 @!p0 $0x1C02  }
0x29: {  	[timem:s3], [sflag:s2] =	dma.local @!p0 [hbm:s0], s1  }
0x2a: {  	s0 =	simm.s32 @!p0 $0x2  }
0x2b: {  	_ =	swait.ge @!p0 [sflag:s0], s1  }
0x2c: {  	s1 =	ssub.s32 @!p0 $0x0, s1;
	[sflag:s0] =	ssyncset.done @!p0 $0x0  }
0x2d: {  	[sflag:s0] =	ssyncadd.s32 @!p0 s1  }
0x2e: {  	[bflag:$0x3] =	sbarrier.arrive $0xFFFF  }
0x2f: {  	_ =	shalt  }

</sc_bundles>
